<compile_context>
chip_gen: v7x
topology: tpu7x:2x2x1
jax: 0.10.2.dev20260603
libtpu: 0.0.44.dev20260713+nightly
codegen_flags: <defaults>
</compile_context>

<pallas_src>
import functools

import jax
import jax.numpy as jnp
from jax import lax
from jax.experimental import pallas as pl
from jax.experimental.pallas import tpu as pltpu
from jax.experimental.pallas import tpu_sc as plsc

_NC, _NS, _L = 2, 16, 16
_NW = _NC * _NS
_BC = 8


def _gather_temporal(temporal, n_patches):
    P, D = temporal.shape
    rows_w = P // _NW
    npat = jnp.full((_L,), n_patches, dtype=jnp.int32)
    mesh = plsc.VectorSubcoreMesh(core_axis_name="c", subcore_axis_name="s")

    @functools.partial(
        pl.kernel,
        out_type=jax.ShapeDtypeStruct((P, D), jnp.float32),
        mesh=mesh,
        scratch_types=[
            pltpu.VMEM((rows_w, D), jnp.float32),
            pltpu.VMEM((rows_w,), jnp.int32),
            pltpu.VMEM((_L,), jnp.int32),
            pltpu.SemaphoreType.DMA,
        ],
    )
    def k(t_hbm, np_hbm, o_hbm, rows_v, idx_v, npv, sem):
        wid = lax.axis_index("s") * _NC + lax.axis_index("c")
        base = wid * rows_w
        pltpu.sync_copy(np_hbm, npv)
        off = npv[...] - P
        for g in range(rows_w // _L):
            ids = lax.iota(jnp.int32, _L) + base + g * _L + off
            idx_v[pl.ds(g * _L, _L)] = jnp.clip(ids, 0, P - 1)
        pltpu.async_copy(t_hbm.at[idx_v], rows_v, sem).wait()
        pltpu.sync_copy(rows_v, o_hbm.at[pl.ds(base, rows_w)])

    return k(temporal, npat)


def _bcast_body(s_ref, t_ref, o_ref):
    c = pl.program_id(0)
    s = s_ref[pl.ds(c * _BC, _BC), :]
    o_ref[...] = s[:, None, :] + t_ref[...][None, :, :]


def kernel(spatial, temporal, n_patches):
    C, D = spatial.shape
    P, _ = temporal.shape
    t_rows = _gather_temporal(temporal, n_patches)
    out = pl.pallas_call(
        _bcast_body,
        grid=(C // _BC,),
        in_specs=[
            pl.BlockSpec((C, D), lambda c: (0, 0)),
            pl.BlockSpec((P, D), lambda c: (0, 0)),
        ],
        out_specs=pl.BlockSpec((_BC, P, D), lambda c: (c, 0, 0)),
        out_shape=jax.ShapeDtypeStruct((C, P, D), jnp.float32),
    )(spatial, t_rows)
    return out.reshape(1, C * P, D)

# --- scband reference (transcript-rebuilt; emitter-appended) ---
"""Pipeline reference for scband-learnable-positional-encoding-27590869909796 (READ-ONLY COPY).

The authoritative reference and input builder live on the scoring server;
editing this copy changes nothing except your own understanding.
"""

import jax, jax.numpy as jnp
import numpy as np

N_CHANNELS = 64
MAX_PATCHES = 512
D_MODEL = 1024

def setup_inputs(seed: int = 0) -> dict:
    key = jax.random.key(seed)
    k1, k2 = jax.random.split(key)
    spatial = jax.random.normal(k1, (N_CHANNELS, D_MODEL), dtype=jnp.float32)
    temporal = jax.random.normal(k2, (MAX_PATCHES, D_MODEL), dtype=jnp.float32)
    return {"spatial": spatial, "temporal": temporal, "n_patches": 512}

def reference(spatial, temporal, n_patches):
    C = spatial.shape[0]
    P = temporal.shape[0]
    ch_ids = jnp.arange(C)
    pat_ids = jnp.arange(P) + (n_patches - P)
    s = jnp.take(spatial, ch_ids, axis=0)        # (C, d)
    t = jnp.take(temporal, pat_ids, axis=0)      # (P, d)
    pe = s[:, None, :] + t[None, :, :]           # (C, P, d)
    pe = pe.reshape(1, C * P, -1)
    return pe

if __name__ == "__main__":
    import jax
    _d = setup_inputs()
    print(jax.jit(kernel)(*tuple(_d.values())))

</pallas_src>

<mosaic_0001>
#map = affine_map<(d0, d1) -> (0, 0)>
#map1 = affine_map<(d0, d1) -> (0)>
module attributes {stable_mosaic.version = 14 : i64} {
  func.func @k(%arg0: i32, %arg1: i32, %arg2: memref<512x1024xf32, #tpu.memory_space<hbm>>, %arg3: memref<16xi32, #tpu.memory_space<hbm>>, %arg4: memref<512x1024xf32, #tpu.memory_space<hbm>>, %arg5: memref<16x1024xf32, #tpu.memory_space<vmem>>, %arg6: memref<16xi32, #tpu.memory_space<vmem>>, %arg7: memref<16xi32, #tpu.memory_space<vmem>>, %arg8: memref<!tpu.dma_semaphore, #tpu.memory_space<semaphore_mem>>) attributes {dimension_semantics = [#tpu.dimension_semantics<core_parallel>, #tpu.dimension_semantics<subcore_parallel>], iteration_bounds = array<i64: 2, 16>, scalar_prefetch = 0 : i64, scratch_operands = 4 : i64, tpu.core_type = #tpu.core_type<sc_vector_subcore>, window_params = [{transform_indices = #map}, {transform_indices = #map1}, {transform_indices = #map}]} {
    %mul3A = arith.constant 2 : i32
    %mul3A_0 = arith.muli %arg1, %mul3A : i32
    %add3A = arith.addi %mul3A_0, %arg0 : i32
    %mul3A_1 = arith.constant 16 : i32
    %mul3A_2 = arith.muli %add3A, %mul3A_1 : i32
    "tpu.region"() ({
      %run_scoped3A = tpu.sem_alloc : memref<!tpu.dma_semaphore, #tpu.memory_space<semaphore_mem>>
      tpu.enqueue_dma source(%arg3 : memref<16xi32, #tpu.memory_space<hbm>>) target(%arg7 : memref<16xi32, #tpu.memory_space<vmem>>) target_semaphore(%run_scoped3A : memref<!tpu.dma_semaphore, #tpu.memory_space<semaphore_mem>>)
      tpu.wait_dma2 semaphore(%run_scoped3A : memref<!tpu.dma_semaphore, #tpu.memory_space<semaphore_mem>>) src(%arg3 : memref<16xi32, #tpu.memory_space<hbm>>) dst(%arg7 : memref<16xi32, #tpu.memory_space<vmem>>)
      tpu.yield
    }) : () -> ()
    %get3A = arith.constant 0 : index
    %get3A_3 = tpu.vector_load %arg7[%get3A] {strides = array<i32>} : memref<16xi32, #tpu.memory_space<vmem>>, vector<16xi32>,
    %get3A_4 = vector.shape_cast %get3A_3 : vector<16xi32> to vector<16xi32>
    %sub3A = arith.constant 512 : i32
    %sub3A_5 = vector.broadcast %sub3A : i32 to vector<16xi32>
    %sub3A_6 = arith.subi %get3A_4, %sub3A_5 : vector<16xi32>
    %iota3A = tpu.iota {dimensions = array<i32: 0>} : vector<16xi32>
    %add3A_7 = vector.broadcast %mul3A_2 : i32 to vector<16xi32>
    %add3A_8 = arith.addi %iota3A, %add3A_7 : vector<16xi32>
    %add3A_9 = arith.constant 0 : i32
    %add3A_10 = vector.broadcast %add3A_9 : i32 to vector<16xi32>
    %add3A_11 = arith.addi %add3A_8, %add3A_10 : vector<16xi32>
    %add3A_12 = arith.addi %add3A_11, %sub3A_6 : vector<16xi32>
    %jit3A = arith.constant 0 : i32
    %jit3A_13 = arith.constant 511 : i32
    %max3A = vector.broadcast %jit3A : i32 to vector<16xi32>
    %max3A_14 = arith.maxsi %max3A, %add3A_12 : vector<16xi32>
    %min3A = vector.broadcast %jit3A_13 : i32 to vector<16xi32>
    %min3A_15 = arith.minsi %min3A, %max3A_14 : vector<16xi32>
    %swap3A = arith.constant 0 : index
    %swap3A_16 = tpu.vector_load %arg6[%swap3A] {strides = array<i32>} : memref<16xi32, #tpu.memory_space<vmem>>, vector<16xi32>,
    %swap3A_17 = vector.shape_cast %swap3A_16 : vector<16xi32> to vector<16xi32>
    %swap3A_18 = vector.shape_cast %min3A_15 : vector<16xi32> to vector<16xi32>
    tpu.vector_store %arg6[%swap3A], %swap3A_18 {strides = array<i32>} : memref<16xi32, #tpu.memory_space<vmem>>, vector<16xi32>,
    %dma_start3A = arith.constant 0 : i32
    %dma_start3A_19 = arith.constant 0 : i32
    %dma_start3A_20 = tpu.memref_slice %arg2[%dma_start3A, %dma_start3A_19] : memref<512x1024xf32, #tpu.memory_space<hbm>> -> memref<512x1024xf32, #tpu.memory_space<hbm>>
    tpu.enqueue_indirect_dma source(%dma_start3A_20 : memref<512x1024xf32, #tpu.memory_space<hbm>>) target(%arg5 : memref<16x1024xf32, #tpu.memory_space<vmem>>) offsets(%arg6 : memref<16xi32, #tpu.memory_space<vmem>>) semaphore(%arg8 : memref<!tpu.dma_semaphore, #tpu.memory_space<semaphore_mem>>)
    %dma_wait3A = arith.constant 0 : i32
    %dma_wait3A_21 = arith.constant 0 : i32
    %dma_wait3A_22 = tpu.memref_slice %arg2[%dma_wait3A, %dma_wait3A_21] : memref<512x1024xf32, #tpu.memory_space<hbm>> -> memref<512x1024xf32, #tpu.memory_space<hbm>>
    tpu.wait_indirect_dma semaphore(%arg8 : memref<!tpu.dma_semaphore, #tpu.memory_space<semaphore_mem>>) src(%dma_wait3A_22 : memref<512x1024xf32, #tpu.memory_space<hbm>>) dst(%arg5 : memref<16x1024xf32, #tpu.memory_space<vmem>>)
    "tpu.region"() ({
      %run_scoped3A = tpu.sem_alloc : memref<!tpu.dma_semaphore, #tpu.memory_space<semaphore_mem>>
      %dma_start3A_23 = arith.constant 0 : i32
      %dma_start3A_24 = tpu.memref_slice %arg4[%mul3A_2, %dma_start3A_23] : memref<512x1024xf32, #tpu.memory_space<hbm>> -> memref<16x1024xf32, #tpu.memory_space<hbm>>
      %dma_start3A_25 = arith.constant 0 : i32
      %dma_start3A_26 = tpu.memref_slice %arg4[%mul3A_2, %dma_start3A_25] : memref<512x1024xf32, #tpu.memory_space<hbm>> -> memref<16x1024xf32, #tpu.memory_space<hbm>>
      tpu.enqueue_dma source(%arg5 : memref<16x1024xf32, #tpu.memory_space<vmem>>) target(%dma_start3A_26 : memref<16x1024xf32, #tpu.memory_space<hbm>>) target_semaphore(%run_scoped3A : memref<!tpu.dma_semaphore, #tpu.memory_space<semaphore_mem>>)
      %dma_wait3A_27 = arith.constant 0 : i32
      %dma_wait3A_28 = tpu.memref_slice %arg4[%mul3A_2, %dma_wait3A_27] : memref<512x1024xf32, #tpu.memory_space<hbm>> -> memref<16x1024xf32, #tpu.memory_space<hbm>>
      %dma_wait3A_29 = arith.constant 0 : i32
      %dma_wait3A_30 = tpu.memref_slice %arg4[%mul3A_2, %dma_wait3A_29] : memref<512x1024xf32, #tpu.memory_space<hbm>> -> memref<16x1024xf32, #tpu.memory_space<hbm>>
      tpu.wait_dma2 semaphore(%run_scoped3A : memref<!tpu.dma_semaphore, #tpu.memory_space<semaphore_mem>>) src(%arg5 : memref<16x1024xf32, #tpu.memory_space<vmem>>) dst(%dma_wait3A_30 : memref<16x1024xf32, #tpu.memory_space<hbm>>)
      tpu.yield
    }) : () -> ()
    return
  }
}

module attributes {stable_mosaic.version = 14 : i64} {
  func.func @_bcast_body(%arg0: i32, %arg1: memref<64x1024xf32, #tpu.memory_space<vmem>>, %arg2: memref<512x1024xf32, #tpu.memory_space<vmem>>, %arg3: memref<8x512x1024xf32, #tpu.memory_space<vmem>>) attributes {dimension_semantics = [#tpu.dimension_semantics<arbitrary>], iteration_bounds = array<i64: 8>, scalar_prefetch = 0 : i64, scratch_operands = 0 : i64, tpu.core_type = #tpu.core_type<tc>, window_params = [{pipeline_mode = #tpu.pipeline_mode<synchronous>, transform_indices = @transform_0, window_bounds = array<i64: 64, 1024>}, {pipeline_mode = #tpu.pipeline_mode<synchronous>, transform_indices = @transform_1, window_bounds = array<i64: 512, 1024>}, {transform_indices = @transform_2, window_bounds = array<i64: 8, 512, 1024>}]} {
    %mul3A = arith.constant 8 : i32
    %mul3A_0 = arith.muli %arg0, %mul3A : i32
    %get3A = arith.index_cast %mul3A_0 : i32 to index
    %get3A_1 = arith.constant 0 : index
    %get3A_2 = vector.load %arg1[%get3A, %get3A_1] : memref<64x1024xf32, #tpu.memory_space<vmem>>, vector<8x1024xf32>
    %broadcast_in_dim3A = vector.shape_cast %get3A_2 : vector<8x1024xf32> to vector<8x1x1024xf32>
    %get3A_3 = arith.constant 0 : index
    %get3A_4 = arith.constant 0 : index
    %get3A_5 = vector.load %arg2[%get3A_3, %get3A_4] : memref<512x1024xf32, #tpu.memory_space<vmem>>, vector<512x1024xf32>
    %broadcast_in_dim3A_6 = vector.shape_cast %get3A_5 : vector<512x1024xf32> to vector<1x512x1024xf32>
    %add3A = vector.broadcast %broadcast_in_dim3A : vector<8x1x1024xf32> to vector<8x512x1024xf32>
    %add3A_7 = vector.broadcast %broadcast_in_dim3A_6 : vector<1x512x1024xf32> to vector<8x512x1024xf32>
    %add3A_8 = arith.addf %add3A, %add3A_7 : vector<8x512x1024xf32>
    %swap3A = arith.constant 0 : index
    %swap3A_9 = arith.constant 0 : index
    %swap3A_10 = arith.constant 0 : index
    %swap3A_11 = vector.load %arg3[%swap3A, %swap3A_9, %swap3A_10] : memref<8x512x1024xf32, #tpu.memory_space<vmem>>, vector<8x512x1024xf32>
    tpu.vector_store %arg3[%swap3A, %swap3A_9, %swap3A_10], %add3A_8 {strides = array<i32>} : memref<8x512x1024xf32, #tpu.memory_space<vmem>>, vector<8x512x1024xf32>,
    return
  }
  func.func @transform_0(%arg0: i32) -> (i32, i32) {
    %c0_i32 = arith.constant 0 : i32
    %c0_i32_0 = arith.constant 0 : i32
    %c0_i32_1 = arith.constant 0 : i32
    return %c0_i32, %c0_i32_0 : i32, i32
  }
  func.func @transform_1(%arg0: i32) -> (i32, i32) {
    %c0_i32 = arith.constant 0 : i32
    %c0_i32_0 = arith.constant 0 : i32
    %c0_i32_1 = arith.constant 0 : i32
    return %c0_i32, %c0_i32_0 : i32, i32
  }
  func.func @transform_2(%arg0: i32) -> (i32, i32, i32) {
    %c0_i32 = arith.constant 0 : i32
    %c0_i32_0 = arith.constant 0 : i32
    %c0_i32_1 = arith.constant 0 : i32
    return %arg0, %c0_i32, %c0_i32_0 : i32, i32, i32
  }
}

</mosaic_0001>

<sc_bundles>
// kernel: kernel.4.cloned.1.call-start
scs
__scs_entry_jumppad:
0x0: {  	(pc) =	sbr.rel $0x88, $3  }
0x1: {  	(tag) =	ssettag $0x0;
	lr =	simm.s32 $0x1  }
0x2: {  	[smem:$0x3F9E] =	sst lr;
	_ =	strace $0xD0000000  }
0x3: {  	_ = 	snop  }
0x4: {  	_ = 	snop  }
0x5: {  	_ = 	snop  }
0x6: {  	_ = 	snop  }
0x7: {  	_ = 	snop  }
__scs_overlays_trampoline_lowered:
0x8: {  	[smem:$0x3FAD] =	sst s0  }
0x9: {  	[smem:$0x3FAE] =	sst s1  }
0xa: {  	[smem:$0x3FAF] =	sst s2  }
0xb: {  	[smem:$0x3FB0] =	sst s3  }
0xc: {  	[smem:$0x3FB1] =	sst s4  }
0xd: {  	[smem:$0x3FB2] =	sst s5  }
0xe: {  	[smem:$0x3FB3] =	sst s6  }
0xf: {  	[smem:$0x3FB4] =	sst s7  }
0x10: {  	[smem:$0x3FB5] =	sst s8  }
0x11: {  	[smem:$0x3FB6] =	sst s9;
	s0 =	simm.s32 @!p0 $0x0  }
0x12: {  	s1 =	sld [smem:$0x3F9C];
	s0 =	simm.s32 @p0 $0x1  }
0x13: {  	[smem:$0x3FB7] =	sst s0;
	s0 =	simm.s32 @!p1 $0x0  }
0x14: {  	s2 =	sld [smem:$0x3F9B];
	s0 =	simm.s32 @p1 $0x1  }
0x15: {  	[smem:$0x3FB8] =	sst s0;
	s0 =	simm.s32 @!p2 $0x0  }
0x16: {  	s3 =	sld [smem:$0x3FDB];
	s0 =	simm.s32 @p2 $0x1  }
0x17: {  	s4 =	simm.s32 $0x1BF5;
	[smem:$0x3FBA] =	sst s0  }
0x18: {  	s0 =	sld [smem:$0x3F9D];
	_ =	swait.ge [sflag:s4], $0x0  }
0x19: {  	s7 =	sld [smem:$0x3F9E]  }
0x1a: {  	s8 =	sadd.s32 $0xFFFFE003, lr  }
0x1b: {  	s9 =	sadd.s32 $0xFFFFFEF7, lr;
	s5 =	simm.s32 $0xFFFFFFFF;
	p2 =	slt.u32 s8, $0xFFFFF086  }
0x1c: {  	p1 =	slt.u32 s9, $0xF7A;
	s5 =	simm.s32 @!p2 $0x0  }
0x1d: {  	s5 =	simm.s32 @p1 $0x1;
	p0 =	seq.s32 s7, s2  }
0x1e: {  	s7 =	smul.u32 @!p0 $0xF7A, s2;
	p2 =	seq.s32 @!p0 s5, $0x0  }
0x1f: {  	s9 =	smul.u32 $0xF7A, s1;
	s8 =	simm.s32 @!p0 $0x1BF5;
	p2 =	por !p2, p0  }
0x20: {  	[sflag:s8] =	ssyncset.s32 @!p0 $0xFFFFF086;
	s6 =	sadd.s32 @!p0 s3, s7;
	s7 =	simm.s32 @!p0 $0x108  }
0x21: {  	s3 =	sadd.s32 s3, s9;
	s6 =	sadd.s32 @!p0 $0x88, s6;
	s7 =	simm.s32 @p2 $0x1082  }
0x22: {  	[simem:s7], [sflag:s8] =	dma.local @!p0 [hbm:s6], $0xF7A  }
0x23: {  	s9 =	sor.u32 $0xD0000000, s2;
	s6 =	simm.s32 $0x108;
	_ =	swait.ge @!p0 [sflag:s8], $0x0  }
0x24: {  	s3 =	sadd.s32 $0x88, s3;
	s6 =	simm.s32 @!p1 $0x1082;
	[sflag:s4] =	ssyncset.s32 $0xFFFFF086  }
0x25: {  	[simem:s6], [sflag:s4] =	dma.local [hbm:s3], $0xF7A  }
0x26: {  	[smem:$0x3F9E] =	sst s1;
	(tag) =	ssettag s2;
	_ =	strace s9  }
0x27: {  	s1 =	sld [smem:$0x3FAE]  }
0x28: {  	s2 =	sld [smem:$0x3FAF]  }
0x29: {  	s4 =	sld [smem:$0x3FB1]  }
0x2a: {  	p0 =	seq.s32 s5, $0x0;
	s5 =	sld [smem:$0x3FB2]  }
0x2b: {  	s6 =	sld [smem:$0x3FB3]  }
0x2c: {  	s7 =	sld [smem:$0x3FB4]  }
0x2d: {  	s3 =	simm.s32 $0x108;
	s8 =	sld [smem:$0x3FB5]  }
0x2e: {  	s3 =	simm.s32 @!p0 $0x1082;
	s9 =	sld [smem:$0x3FB6]  }
0x2f: {  	lr =	sadd.s32 s0, s3;
	s0 =	sld [smem:$0x3FAD]  }
0x30: {  	s3 =	sld [smem:$0x3FB0]  }
0x31: {  	[smem:$0x3FB9] =	sst s10  }
0x32: {  	s10 =	sld [smem:$0x3FB7];
	_ =	sdelay $0x3  }
0x33: {  	p0 =	seq.s32 s10, $0x1;
	s10 =	sld [smem:$0x3FB9];
	_ =	sdelay $0x3  }
0x34: {  	[smem:$0x3FB9] =	sst s10  }
0x35: {  	s10 =	sld [smem:$0x3FB8];
	_ =	sdelay $0x3  }
0x36: {  	p1 =	seq.s32 s10, $0x1;
	s10 =	sld [smem:$0x3FB9];
	_ =	sdelay $0x3  }
0x37: {  	[smem:$0x3FB9] =	sst s10  }
0x38: {  	s10 =	sld [smem:$0x3FBA]  }
0x39: {  	_ = 	snop;
	(pc) =	sbr.ind lr, $3  }
0x3a: {  	_ = 	snop  }
0x3b: {  	_ = 	snop  }
0x3c: {  	p2 =	seq.s32 s10, $0x1;
	s10 =	sld [smem:$0x3FB9]  }
0x3d: {  	_ =	shalt  }
0x3e: {  	_ =	shalt  }
0x3f: {  	_ =	shalt  }
0x40: {  	_ =	shalt  }
0x41: {  	_ =	shalt  }
0x42: {  	_ =	shalt  }
0x43: {  	_ =	shalt  }
0x44: {  	_ =	shalt  }
0x45: {  	_ =	shalt  }
0x46: {  	_ =	shalt  }
0x47: {  	_ =	shalt  }
0x48: {  	_ =	shalt  }
0x49: {  	_ =	shalt  }
0x4a: {  	_ =	shalt  }
0x4b: {  	_ =	shalt  }
0x4c: {  	_ =	shalt  }
0x4d: {  	_ =	shalt  }
0x4e: {  	_ =	shalt  }
0x4f: {  	_ =	shalt  }
0x50: {  	_ =	shalt  }
0x51: {  	_ =	shalt  }
0x52: {  	_ =	shalt  }
0x53: {  	_ =	shalt  }
0x54: {  	_ =	shalt  }
0x55: {  	_ =	shalt  }
0x56: {  	_ =	shalt  }
0x57: {  	_ =	shalt  }
0x58: {  	_ =	shalt  }
0x59: {  	_ =	shalt  }
0x5a: {  	_ =	shalt  }
0x5b: {  	_ =	shalt  }
0x5c: {  	_ =	shalt  }
0x5d: {  	_ =	shalt  }
0x5e: {  	_ =	shalt  }
0x5f: {  	_ =	shalt  }
0x60: {  	_ =	shalt  }
0x61: {  	_ =	shalt  }
0x62: {  	_ =	shalt  }
0x63: {  	_ =	shalt  }
0x64: {  	_ =	shalt  }
0x65: {  	_ =	shalt  }
0x66: {  	_ =	shalt  }
0x67: {  	_ =	shalt  }
0x68: {  	_ =	shalt  }
0x69: {  	_ =	shalt  }
0x6a: {  	_ =	shalt  }
0x6b: {  	_ =	shalt  }
0x6c: {  	_ =	shalt  }
0x6d: {  	_ =	shalt  }
0x6e: {  	_ =	shalt  }
0x6f: {  	_ =	shalt  }
0x70: {  	_ =	shalt  }
0x71: {  	_ =	shalt  }
0x72: {  	_ =	shalt  }
0x73: {  	_ =	shalt  }
0x74: {  	_ =	shalt  }
0x75: {  	_ =	shalt  }
0x76: {  	_ =	shalt  }
0x77: {  	_ =	shalt  }
0x78: {  	_ =	shalt  }
0x79: {  	_ =	shalt  }
0x7a: {  	_ =	shalt  }
0x7b: {  	_ =	shalt  }
0x7c: {  	_ =	shalt  }
0x7d: {  	_ =	shalt  }
0x7e: {  	_ =	shalt  }
0x7f: {  	_ =	shalt  }
0x80: {  	_ =	shalt  }
0x81: {  	_ =	shalt  }
0x82: {  	_ =	shalt  }
0x83: {  	_ =	shalt  }
0x84: {  	_ =	shalt  }
0x85: {  	_ =	shalt  }
0x86: {  	_ =	shalt  }
0x87: {  	_ =	shalt  }
.Lfunc_end0:
.L_simem_size_0:
called_computation_lowered:
.L_overlay_start_0:
0x88: {  	s2 =	sld [smem:$0x3FD9]  }
0x89: {  	s3 =	sld [smem:$0x3FFE];
	_ =	sdelay $0x1  }
0x8a: {  	s1 =	srdreg.scid  }
0x8b: {  	s0 =	sand.u32 $0x1, s1  }
0x8c: {  	s17 =	sshll.u32 s0, $0xA;
	s2 =	sadd.s32 s3, s2  }
0x8d: {  	s2 =	sadd.s32 s2, s17  }
0x8e: {  	[smem:$0x3FC5] =	sst s2  }
0x8f: {  	_ = 	snop  }
0x90: {  	s2 =	sld [smem:$0x3FC8]  }
0x91: {  	s18 =	sld [smem:$0x3FD0];
	(tm) =	ssettm $0x1  }
0x92: {  	s4 =	sld [smem:$0x3FFB];
	_ =	sdelay $0x3  }
0x93: {  	_ =	strace s4  }
0x94: {  	s4 =	sld [smem:$0x3FFC];
	_ =	sdelay $0x3  }
0x95: {  	_ =	strace s4  }
0x96: {  	s4 =	sld [smem:$0x3FFD];
	_ =	sdelay $0x3  }
0x97: {  	_ =	strace s4  }
0x98: {  	_ =	strace $0x8FFFFFFF  }
0x99: {  	s19 =	sld [smem:$0x3FDB];
	_ =	sdelay $0x1  }
0x9a: {  	s5 =	simm.s32 $_scs_section_size  }
0x9b: {  	s6 =	simm.s32 $_size__tile_overlayer_lowered;
	s7 =	simm.s32 $_tile_overlayer_lowered  }
0x9c: {  	s22 =	simm.s32 $0x1BFF;
	s21 =	sshll.u32 s7, $0x1;
	s4 =	sadd.s32 s5, s19  }
0x9d: {  	s8 =	simm.s32 $0x0;
	s20 =	sshll.u32 s6, $0x1;
	s6 =	sadd.s32 s21, s4  }
0x9e: {  	[timem:s8], [sflag:s22] =	dma.local [hbm:s6], s20  }
0x9f: {  	_ =	swait.ge [sflag:s22], s20  }
0xa0: {  	s5 =	ssub.s32 $0x0, s20;
	[sflag:s22] =	ssyncset.done $0x0  }
0xa1: {  	[sflag:s22] =	ssyncadd.s32 s5;
	_ =	sdelay $0x1  }
0xa2: {  	s23 =	simm.s32 $0x1B8B  }
0xa3: {  	_ =	swait.ge [sflag:s23], $0x1  }
0xa4: {  	[sflag:s23] =	ssyncset.done $0x0  }
0xa5: {  	s25 =	simm.s32 $0x1B8E;
	s24 =	sld [smem:$0x3FFE];
	[sflag:s23] =	ssyncadd.s32 $0xFFFFFFFF  }
0xa6: {  	s26 =	simm.s32 $execute0_lowered;
	[smem:$0x3FD2] =	sst s25  }
0xa7: {  	s6 =	sshll.u32 s26, $0x1;
	_ =	strace $0x80000046;
	[dreg:$0x1] =	wrdreg $0xFFFFFFFF  }
0xa8: {  	s28 =	simm.s32 $_size_execute0_lowered;
	s4 =	sadd.s32 s4, s6;
	[dreg:$0x0] =	wrdreg $0x0  }
0xa9: {  	s6 =	sshll.u32 s28, $0x1;
	[dreg:$0x2] =	wrdreg s4  }
0xaa: {  	[dreg:$0x3] =	wrdreg s6  }
0xab: {  	[dreg:$0x4] =	wrdreg $0xC0  }
0xac: {  	_ =	task [dreg:s8], $0x5FFFF  }
0xad: {  	[dreg:$0x1] =	wrdreg $0xFFFFFFFF  }
0xae: {  	[dreg:$0x0] =	wrdreg $0x60  }
0xaf: {  	[dreg:$0x2] =	wrdreg s2  }
0xb0: {  	[dreg:$0x3] =	wrdreg s24  }
0xb1: {  	[dreg:$0x4] =	wrdreg s18  }
0xb2: {  	[dreg:$0x5] =	wrdreg $0x9  }
0xb3: {  	_ =	task.clear_ibuf [dreg:s8], $0x6FFFF;
	_ =	strace $0x90000046  }
0xb4: {  	s29 =	simm.s32 $0x9;
	_ =	strace $0x80000048  }
0xb5: {  	_ =	swait.ge [sflag:s29], $0x1  }
0xb6: {  	[sflag:s29] =	ssyncadd.s32 $0xFFFFFFFF  }
0xb7: {  	_ =	strace $0x90000048  }
0xb8: {  	_ =	sfence  }
0xb9: {  	s30 =	sld [smem:$0x0];
	_ =	sdelay $0x2  }
0xba: {  	s31 =	sshll.u32 s1, $0xD;
	s1 =	sshrl.u32 s1, $0x2  }
0xbb: {  	s3 =	sand.u32 $0x4000, s31;
	s1 =	sadd.s32 s1, s30  }
0xbc: {  	s0 =	sor.u32 s3, s0;
	s1 =	sshll.u32 s1, $0x11  }
0xbd: {  	s0 =	sor.u32 s1, s0  }
0xbe: {  	s0 =	sadd.s32 $0x8F2B, s0  }
0xbf: {  	[sflag:s0] =	ssyncadd.remote.s32 $0x1  }
0xc0: {  	_ =	sfence.sel $0xFFFF  }
0xc1: {  	[dreg:$0x0] =	wrdreg $0xFFFFFFFF;
	(pc) =	sbr.abs _section_cstart, $3  }
0xc2: {  	[dreg:$0x1] =	wrdreg $0xFFFFFFFF  }
0xc3: {  	_ =	task.clear_ibuf [dreg:s8], $0x2FFFF;
	_ =	strace $0x9FFFFFFF  }
0xc4: {  	(tm) =	ssettm $0x7FFFFFFF  }
0xc5: {  	_ =	shalt  }
tec
execute0_lowered:
.L_overlay_start_1:
0x0: {  	(tag) =	ssettag $0x1  }
0x1: {  	s1 =	rddreg [dreg:$0x0]  }
0x2: {  	s3 =	rddreg [dreg:$0x1]  }
0x3: {  	s18 =	rddreg [dreg:$0x2]  }
0x4: {  	s0 =	rddreg [dreg:$0x3];
	s2 =	simm.s32 $0x0  }
0x5: {  	s5 =	simm.s32 $0x4080;
	[smem:$0x7FF] =	sst s2  }
0x6: {  	s4 =	simm.s32 $0x2;
	s3 =	sadd.s32 $0x800, s3;
	_ =	strace $0x80000047  }
0x7: {  	[tilespmem:s5], [sflag:$0x2] =	stream.linear.gather [hbm4b:s3+s2], $0x80, $0x38;
	[tilespmem:$0x4100] =	vst v63  }
0x8: {  	_ =	swait.ge [sflag:s4], $0x80  }
0x9: {  	[sflag:s4] =	ssyncset.done $0x0  }
0xa: {  	[sflag:s4] =	ssyncadd.s32 $0xFFFFFF80  }
0xb: {  	s7 =	srdreg.scid;
	v1 =	vld [tilespmem:$0x4080]  }
0xc: {  	s6 =	stileid.u32;
	s16 =	sand.u32 $0x1, s7  }
0xd: {  	v3 =	vlaneseq.u32;
	s30 =	sshll.u32 s6, $0x5;
	s8 =	sshll.u32 s16, $0x4  }
0xe: {  	v0 =	vor.u32 $0xFFFFFE00, v3;
	s19 =	sor.u32 s8, s30  }
0xf: {  	v0 =	vor.u32 s19, v0  }
0x10: {  	v1 =	vadd.s32 v1, v0  }
0x11: {  	vm0 =	vgt.s32 v1, $0x0  }
0x12: {  	v1 =	vnsel vm0, $0x0, v1  }
0x13: {  	v4 =	vmin.u32 v1, $0x1FF  }
0x14: {  	v1 =	vshll.u32 v4, $0x3  }
0x15: {  	v2 =	vand.u32 $0x7, v4;
	v5 =	vand.u32 $0xFC0, v1  }
0x16: {  	v6 =	vshrl.u32 v3, $0x3;
	v1 =	vand.u32 $0x7, v3;
	v5 =	vor.u32 v2, v5  }
0x17: {  	v2 =	vmul.u32 $0x8, v6;
	v63 =	vperm.xlane v5, v1;
	_ =	sdelay $0x1  }
0x18: {  	v6 =	vadd.s32 v2, v63;
	_ =	sdelay $0x3  }
0x19: {  	vm0 =	vmmov $0xffff;
	[tilespmem:$0x4000] =	vst v4  }
0x1a: {  	v3 =	vor.u32 $0x8, v3;
	[tilespmem:s2], [sflag:$0x1] =	stream.indirect_vreg.gather [hbm4b:s1+s2], $0x80, v6, vm0, $0xb8;
	[tilespmem:$0x4100] =	vst v63  }
0x1b: {  	s7 =	sadd.s32 $0x100, s1;
	s8 =	simm.s32 $0x800;
	v4 =	vperm.xlane v5, v3  }
0x1c: {  	[tilespmem:s8], [sflag:$0x1] =	stream.indirect_vreg.gather [hbm4b:s7+s2], $0x80, v6, vm0, $0xb8;
	[tilespmem:$0x4100] =	vst v63  }
0x1d: {  	s10 =	simm.s32 $0x1000;
	s9 =	sadd.s32 $0x200, s1;
	v4 =	vadd.s32 v2, v4  }
0x1e: {  	[tilespmem:s10], [sflag:$0x1] =	stream.indirect_vreg.gather [hbm4b:s9+s2], $0x80, v6, vm0, $0xb8;
	[tilespmem:$0x4100] =	vst v63  }
0x1f: {  	s12 =	simm.s32 $0x1800;
	s11 =	sadd.s32 $0x300, s1  }
0x20: {  	[tilespmem:s12], [sflag:$0x1] =	stream.indirect_vreg.gather [hbm4b:s11+s2], $0x80, v6, vm0, $0xb8;
	[tilespmem:$0x4100] =	vst v63  }
0x21: {  	s13 =	simm.s32 $0x2000;
	s20 =	ssub.s32 $0x2, s16  }
0x22: {  	[tilespmem:s13], [sflag:$0x1] =	stream.indirect_vreg.gather [hbm4b:s1+s2], $0x80, v4, vm0, $0xb8;
	[tilespmem:$0x4100] =	vst v63  }
0x23: {  	s14 =	simm.s32 $0x2800;
	s21 =	sshrl.u32 s20, $0x1  }
0x24: {  	[tilespmem:s14], [sflag:$0x1] =	stream.indirect_vreg.gather [hbm4b:s7+s2], $0x80, v4, vm0, $0xb8;
	[tilespmem:$0x4100] =	vst v63  }
0x25: {  	s15 =	simm.s32 $0x3000;
	s20 =	ssub.s32 s20, s21  }
0x26: {  	[tilespmem:s15], [sflag:$0x1] =	stream.indirect_vreg.gather [hbm4b:s9+s2], $0x80, v4, vm0, $0xb8;
	[tilespmem:$0x4100] =	vst v63  }
0x27: {  	s17 =	simm.s32 $0x1;
	s16 =	simm.s32 $0x3800;
	s31 =	smax.u32 s20, $0x1  }
0x28: {  	[tilespmem:s16], [sflag:$0x1] =	stream.indirect_vreg.gather [hbm4b:s11+s2], $0x80, v4, vm0, $0xb8;
	[tilespmem:$0x4100] =	vst v63  }
0x29: {  	p0 =	sne.s32 s31, $0x1;
	_ =	swait.ge [sflag:s17], $0x4000  }
.Ltmp0:
0x2a: {  	s19 =	sshll.u32 s19, $0x7;
	[sflag:s17] =	ssyncset.done $0x0;
	(pc) =	sbr.rel @!p0 .LBB2_2-.Ltmp0, $4  }
0x2b: {  	s18 =	sadd.s32 s18, s19;
	[sflag:s17] =	ssyncadd.s32 $0xFFFFC000  }
0x2c: {  	[hbm4b:s18+s2] =	stream.linear.scatter [tilespmem:s2], [sflag:$0x2], $0x4000, $0x38;
	[tilespmem:$0x4100] =	vst v63  }
0x2d: {  	_ =	swait.ge [sflag:s4], $0x4000  }
0x2e: {  	s19 =	sadd.s32 $0xFFFFFFFF, s31;
	[sflag:s4] =	ssyncset.done $0x0  }
.LBB2_1:
0x2f: {  	p0 =	sne.s32 s19, $0x1;
	s19 =	sadd.s32 $0xFFFFFFFF, s19;
	[sflag:s4] =	ssyncadd.s32 $0xFFFFC000  }
0x30: {  	[tilespmem:s5], [sflag:$0x2] =	stream.linear.gather [hbm4b:s3+s2], $0x80, $0x38;
	[tilespmem:$0x4100] =	vst v63  }
0x31: {  	_ =	swait.ge [sflag:s4], $0x80  }
0x32: {  	[sflag:s4] =	ssyncset.done $0x0  }
0x33: {  	[sflag:s4] =	ssyncadd.s32 $0xFFFFFF80  }
0x34: {  	v4 =	vld [tilespmem:$0x4080];
	_ =	sdelay $0x4  }
0x35: {  	v4 =	vadd.s32 v4, v0  }
0x36: {  	vm1 =	vgt.s32 v4, $0x0  }
0x37: {  	v4 =	vnsel vm1, $0x0, v4  }
0x38: {  	v4 =	vmin.u32 v4, $0x1FF  }
0x39: {  	v5 =	vshll.u32 v4, $0x3  }
0x3a: {  	v6 =	vand.u32 $0x7, v4;
	v5 =	vand.u32 $0xFC0, v5  }
0x3b: {  	v5 =	vor.u32 v6, v5  }
0x3c: {  	v6 =	vperm.xlane v5, v1;
	v5 =	vperm.xlane v5, v3;
	_ =	sdelay $0x1  }
0x3d: {  	v6 =	vadd.s32 v2, v6;
	_ =	sdelay $0x3  }
0x3e: {  	[tilespmem:$0x4000] =	vst v4  }
0x3f: {  	[tilespmem:s2], [sflag:$0x1] =	stream.indirect_vreg.gather [hbm4b:s1+s2], $0x80, v6, vm0, $0xb8;
	[tilespmem:$0x4100] =	vst v63  }
0x40: {  	_ = 	snop  }
0x41: {  	[tilespmem:s8], [sflag:$0x1] =	stream.indirect_vreg.gather [hbm4b:s7+s2], $0x80, v6, vm0, $0xb8;
	[tilespmem:$0x4100] =	vst v63  }
0x42: {  	v4 =	vadd.s32 v2, v5  }
0x43: {  	[tilespmem:s10], [sflag:$0x1] =	stream.indirect_vreg.gather [hbm4b:s9+s2], $0x80, v6, vm0, $0xb8;
	[tilespmem:$0x4100] =	vst v63  }
0x44: {  	_ = 	snop  }
0x45: {  	[tilespmem:s12], [sflag:$0x1] =	stream.indirect_vreg.gather [hbm4b:s11+s2], $0x80, v6, vm0, $0xb8;
	[tilespmem:$0x4100] =	vst v63  }
0x46: {  	_ = 	snop  }
0x47: {  	[tilespmem:s13], [sflag:$0x1] =	stream.indirect_vreg.gather [hbm4b:s1+s2], $0x80, v4, vm0, $0xb8;
	[tilespmem:$0x4100] =	vst v63  }
0x48: {  	_ = 	snop  }
0x49: {  	[tilespmem:s14], [sflag:$0x1] =	stream.indirect_vreg.gather [hbm4b:s7+s2], $0x80, v4, vm0, $0xb8;
	[tilespmem:$0x4100] =	vst v63  }
0x4a: {  	_ = 	snop  }
0x4b: {  	[tilespmem:s15], [sflag:$0x1] =	stream.indirect_vreg.gather [hbm4b:s9+s2], $0x80, v4, vm0, $0xb8;
	[tilespmem:$0x4100] =	vst v63  }
0x4c: {  	_ = 	snop  }
0x4d: {  	[tilespmem:s16], [sflag:$0x1] =	stream.indirect_vreg.gather [hbm4b:s11+s2], $0x80, v4, vm0, $0xb8;
	[tilespmem:$0x4100] =	vst v63  }
0x4e: {  	_ =	swait.ge [sflag:s17], $0x4000  }
.Ltmp1:
0x4f: {  	[sflag:s17] =	ssyncset.done $0x0;
	(pc) =	sbr.rel @p0 .LBB2_1-.Ltmp1, $4  }
0x50: {  	[sflag:s17] =	ssyncadd.s32 $0xFFFFC000  }
0x51: {  	[hbm4b:s18+s2] =	stream.linear.scatter [tilespmem:s2], [sflag:$0x2], $0x4000, $0x38;
	[tilespmem:$0x4100] =	vst v63  }
0x52: {  	_ =	swait.ge [sflag:s4], $0x4000  }
0x53: {  	[sflag:s4] =	ssyncset.done $0x0  }
.LBB2_2:
0x54: {  	[sflag:s4] =	ssyncadd.s32 $0xFFFFC000  }
0x55: {  	_ =	sfence.sel $0x180000  }
0x56: {  	[bflag:$0x0] =	sbarrier.arrive $0xFFFF  }
0x57: {  	p0 =	sne.s32 s6, $0x0;
	_ =	strace $0x90000047  }
0x58: {  	s0 =	sadd.s32 @!p0 $0x100000, s0;
	[bflag:$0x2] =	sbarrier.arrive $0xFFFF  }
0x59: {  	[sflag:s0] =	ssyncadd.tile.s32 @!p0 $0x1;
	_ =	shalt  }
.Lfunc_end2:
_tile_overlayer_lowered:
.L_overlay_start_2:
0x5a: {  	(tag) =	ssettag $0x2  }
0x5b: {  	s0 =	rddreg [dreg:$0x0];
	s2 =	stileid.u32  }
0x5c: {  	s1 =	rddreg [dreg:$0x1];
	p0 =	sne.s32 s2, $0x0  }
0x5d: {  	s3 =	rddreg [dreg:$0x2];
	[bflag:$0x3] =	sbarrier.arrive $0xFFFF;
	s2 =	simm.s32 @!p0 $0x1C02  }
0x5e: {  	[timem:s3], [sflag:s2] =	dma.local @!p0 [hbm:s0], s1  }
0x5f: {  	s0 =	simm.s32 @!p0 $0x2  }
0x60: {  	_ =	swait.ge @!p0 [sflag:s0], s1  }
0x61: {  	s1 =	ssub.s32 @!p0 $0x0, s1;
	[sflag:s0] =	ssyncset.done @!p0 $0x0  }
0x62: {  	[sflag:s0] =	ssyncadd.s32 @!p0 s1  }
0x63: {  	[bflag:$0x3] =	sbarrier.arrive $0xFFFF  }
0x64: {  	_ =	shalt  }

</sc_bundles>
